<compile_context>
chip_gen: v7x
topology: tpu7x:2x2x1
jax: 0.10.2.dev20260603
libtpu: 0.0.44.dev20260713+nightly
codegen_flags: <defaults>
</compile_context>

<pallas_src>
import functools

import jax
import jax.numpy as jnp
from jax import lax
from jax.experimental import pallas as pl
from jax.experimental.pallas import tpu as pltpu
from jax.experimental.pallas import tpu_sc as plsc

_EPS = 1e-12
_C = 8192
_NSETS = 4
_NEG = -jnp.inf



def _sc_gather(x, y32):
    rows, cols = x.shape
    info = plsc.get_sparse_core_info()
    nw = info.num_cores * info.num_subcores
    nc = info.num_cores
    L = 16
    bpw = rows // nw
    x1 = x.reshape(rows * cols)
    mesh = plsc.VectorSubcoreMesh(core_axis_name="c", subcore_axis_name="s")

    @functools.partial(
        pl.kernel, mesh=mesh,
        out_type=jax.ShapeDtypeStruct((rows,), jnp.float32),
        scratch_types=[
            pltpu.VMEM((bpw,), jnp.int32),
            pltpu.VMEM((bpw,), jnp.int32),
            pltpu.VMEM((bpw,), jnp.float32),
            pltpu.SemaphoreType.DMA,
        ],
    )
    def k(x_hbm, y_hbm, out_hbm, yv, offs_v, vals, sem):
        wid = lax.axis_index("s") * nc + lax.axis_index("c")
        base = wid * bpw
        pltpu.sync_copy(y_hbm.at[pl.ds(base, bpw)], yv)
        for i in range(bpw // L):
            b16 = lax.iota(jnp.int32, L) + (base + i * L)
            offs_v[pl.ds(i * L, L)] = b16 * cols + yv[pl.ds(i * L, L)]
        pltpu.async_copy(x_hbm.at[offs_v], vals, sem).wait()
        pltpu.sync_copy(vals, out_hbm.at[pl.ds(base, bpw)])

    return k(x1, y32)



def _topk_kernel(xy_ref, x_ref, o_ref, m1, m2, m3, *, r, cols, nc):
    j = pl.program_id(1)
    w = 128 * _NSETS
    nsub = _C // 128
    tail = cols - (nc - 1) * _C
    nsub_tail = pl.cdiv(tail, 128)

    @pl.when(j == 0)
    def _init():
        m1[...] = jnp.full((r, w), _NEG, jnp.float32)
        m2[...] = jnp.full((r, w), _NEG, jnp.float32)
        m3[...] = jnp.full((r, w), _NEG, jnp.float32)

    lane = jax.lax.broadcasted_iota(jnp.int32, (r, 128), 1)

    def sweep(n_sub, masked):
        n_grp = n_sub // _NSETS
        base = j * _C

        def update(state, k, v, cidx):
            m1v, m2v, m3v = state
            if masked:
                v = jnp.where(cidx < cols, v, _NEG)
            nm1 = jnp.maximum(m1v[k], v)
            nm2 = jnp.minimum(m1v[k], jnp.maximum(m2v[k], v))
            nm3 = jnp.minimum(m2v[k], jnp.maximum(m3v[k], v))
            m1v = m1v[:k] + (nm1,) + m1v[k + 1:]
            m2v = m2v[:k] + (nm2,) + m2v[k + 1:]
            m3v = m3v[:k] + (nm3,) + m3v[k + 1:]
            return (m1v, m2v, m3v)

        def body(t, state):
            off = t * (128 * _NSETS)
            for k in range(_NSETS):
                v = x_ref[:, pl.ds(off + k * 128, 128)]
                state = update(state, k, v, None)
            return state

        state = tuple(
            tuple(ref[:, k * 128:(k + 1) * 128] for k in range(_NSETS))
            for ref in (m1, m2, m3))
        if not masked:
            state = jax.lax.fori_loop(0, n_grp, body, state)
        for s in range(0 if masked else n_grp * _NSETS, n_sub):
            v = x_ref[:, s * 128:(s + 1) * 128]
            cidx = lane + (base + s * 128) if masked else None
            state = update(state, s % _NSETS, v, cidx)
        m1v, m2v, m3v = state
        m1[...] = jnp.concatenate(m1v, axis=1)
        m2[...] = jnp.concatenate(m2v, axis=1)
        m3[...] = jnp.concatenate(m3v, axis=1)

    @pl.when(j < nc - 1)
    def _main():
        sweep(nsub, False)

    @pl.when(j == nc - 1)
    def _tail():
        sweep(nsub_tail, True)

        lanes = jax.lax.broadcasted_iota(jnp.int32, (r, w), 1)
        a1 = m1[...]
        big1 = jnp.max(a1, axis=1, keepdims=True)
        l1 = jnp.max(jnp.where(a1 == big1, lanes, -1), axis=1, keepdims=True)
        a2 = jnp.where(lanes == l1, m2[...], a1)
        big2 = jnp.max(a2, axis=1, keepdims=True)
        l2 = jnp.max(jnp.where(a2 == big2, lanes, -1), axis=1, keepdims=True)
        a3 = jnp.where(lanes == l2, jnp.where(l1 == l2, m3[...], m2[...]), a2)
        big3 = jnp.max(a3, axis=1, keepdims=True)
        xyv = xy_ref[0, 0, :][:, None]
        num = xyv - jnp.where(xyv == big1, big2, big1)
        den = big1 - big3 + _EPS
        res = -num / den
        o_ref[0, 0, :] = res[:, 0]


def kernel(x, y):
    rows, cols = x.shape
    r = 8 if rows % 8 == 0 else rows
    nr = rows // r
    nc = pl.cdiv(cols, _C)
    y32 = y.astype(jnp.int32)

    xy = _sc_gather(x, y32).reshape(nr, 1, r)

    body = functools.partial(_topk_kernel, r=r, cols=cols, nc=nc)
    out = pl.pallas_call(
        body,
        grid=(nr, nc),
        in_specs=[
            pl.BlockSpec((1, 1, r), lambda i, j: (i, 0, 0)),
            pl.BlockSpec((r, _C), lambda i, j: (i, j)),
        ],
        out_specs=pl.BlockSpec((1, 1, r), lambda i, j: (i, 0, 0)),
        out_shape=jax.ShapeDtypeStruct((nr, 1, r), jnp.float32),
        scratch_shapes=[
            pltpu.VMEM((r, 128 * _NSETS), jnp.float32),
            pltpu.VMEM((r, 128 * _NSETS), jnp.float32),
            pltpu.VMEM((r, 128 * _NSETS), jnp.float32),
        ],
        compiler_params=pltpu.CompilerParams(
            dimension_semantics=("arbitrary", "arbitrary")),
    )(xy, x)
    return out.reshape(rows)

# --- scband reference (transcript-rebuilt; emitter-appended) ---
"""Pipeline reference for scband-dlr-63196148793504 (READ-ONLY COPY).

The authoritative reference and input builder live on the scoring server;
editing this copy changes nothing except your own understanding.
"""

import jax, jax.numpy as jnp
import numpy as np

EPS = 1e-12

def setup_inputs(seed: int = 0) -> dict:
    key = jax.random.key(seed)
    k1, k2 = jax.random.split(key)
    x = jax.random.normal(k1, (1024, 100000), dtype=jnp.float32)
    y = jax.random.randint(k2, (1024,), 0, 100000, dtype=jnp.int64)
    return {"x": x, "y": y}

def reference(x, y):
    x_sorted = jnp.sort(x, axis=1)
    ind_sorted = jnp.argsort(x, axis=1)
    ind = (ind_sorted[:, -1] == y).astype(jnp.float32)
    u = jnp.arange(x.shape[0])
    num = x[u, y] - x_sorted[:, -2] * ind - x_sorted[:, -1] * (1.0 - ind)
    den = x_sorted[:, -1] - x_sorted[:, -3] + EPS
    return -num / den

if __name__ == "__main__":
    import jax
    _d = setup_inputs()
    print(jax.jit(kernel)(*tuple(_d.values())))

</pallas_src>

<mosaic_0001>
#map = affine_map<(d0, d1) -> (0)>
module attributes {stable_mosaic.version = 14 : i64} {
  func.func @k(%arg0: i32, %arg1: i32, %arg2: memref<102400000xf32, #tpu.memory_space<hbm>>, %arg3: memref<1024xi32, #tpu.memory_space<hbm>>, %arg4: memref<1024xf32, #tpu.memory_space<hbm>>, %arg5: memref<32xi32, #tpu.memory_space<vmem>>, %arg6: memref<32xi32, #tpu.memory_space<vmem>>, %arg7: memref<32xf32, #tpu.memory_space<vmem>>, %arg8: memref<!tpu.dma_semaphore, #tpu.memory_space<semaphore_mem>>) attributes {dimension_semantics = [#tpu.dimension_semantics<core_parallel>, #tpu.dimension_semantics<subcore_parallel>], iteration_bounds = array<i64: 2, 16>, scalar_prefetch = 0 : i64, scratch_operands = 4 : i64, tpu.core_type = #tpu.core_type<sc_vector_subcore>, window_params = [{transform_indices = #map}, {transform_indices = #map}, {transform_indices = #map}]} {
    %mul3A = arith.constant 2 : i32
    %mul3A_0 = arith.muli %arg1, %mul3A : i32
    %add3A = arith.addi %mul3A_0, %arg0 : i32
    %mul3A_1 = arith.constant 32 : i32
    %mul3A_2 = arith.muli %add3A, %mul3A_1 : i32
    "tpu.region"() ({
      %run_scoped3A = tpu.sem_alloc : memref<!tpu.dma_semaphore, #tpu.memory_space<semaphore_mem>>
      %dma_start3A_34 = tpu.memref_slice %arg3[%mul3A_2] : memref<1024xi32, #tpu.memory_space<hbm>> -> memref<32xi32, #tpu.memory_space<hbm>>
      %dma_start3A_35 = tpu.memref_slice %arg3[%mul3A_2] : memref<1024xi32, #tpu.memory_space<hbm>> -> memref<32xi32, #tpu.memory_space<hbm>>
      tpu.enqueue_dma source(%dma_start3A_35 : memref<32xi32, #tpu.memory_space<hbm>>) target(%arg5 : memref<32xi32, #tpu.memory_space<vmem>>) target_semaphore(%run_scoped3A : memref<!tpu.dma_semaphore, #tpu.memory_space<semaphore_mem>>)
      %dma_wait3A_36 = tpu.memref_slice %arg3[%mul3A_2] : memref<1024xi32, #tpu.memory_space<hbm>> -> memref<32xi32, #tpu.memory_space<hbm>>
      %dma_wait3A_37 = tpu.memref_slice %arg3[%mul3A_2] : memref<1024xi32, #tpu.memory_space<hbm>> -> memref<32xi32, #tpu.memory_space<hbm>>
      tpu.wait_dma2 semaphore(%run_scoped3A : memref<!tpu.dma_semaphore, #tpu.memory_space<semaphore_mem>>) src(%dma_wait3A_37 : memref<32xi32, #tpu.memory_space<hbm>>) dst(%arg5 : memref<32xi32, #tpu.memory_space<vmem>>)
      tpu.yield
    }) : () -> ()
    %iota3A = tpu.iota {dimensions = array<i32: 0>} : vector<16xi32>
    %add3A_3 = arith.constant 0 : i32
    %add3A_4 = arith.addi %mul3A_2, %add3A_3 : i32
    %add3A_5 = vector.broadcast %add3A_4 : i32 to vector<16xi32>
    %add3A_6 = arith.addi %iota3A, %add3A_5 : vector<16xi32>
    %mul3A_7 = arith.constant 100000 : i32
    %mul3A_8 = vector.broadcast %mul3A_7 : i32 to vector<16xi32>
    %mul3A_9 = arith.muli %add3A_6, %mul3A_8 : vector<16xi32>
    %get3A = arith.constant 0 : index
    %get3A_10 = tpu.vector_load %arg5[%get3A] {strides = array<i32>} : memref<32xi32, #tpu.memory_space<vmem>>, vector<16xi32>,
    %get3A_11 = vector.shape_cast %get3A_10 : vector<16xi32> to vector<16xi32>
    %add3A_12 = arith.addi %mul3A_9, %get3A_11 : vector<16xi32>
    %swap3A = arith.constant 0 : index
    %swap3A_13 = tpu.vector_load %arg6[%swap3A] {strides = array<i32>} : memref<32xi32, #tpu.memory_space<vmem>>, vector<16xi32>,
    %swap3A_14 = vector.shape_cast %swap3A_13 : vector<16xi32> to vector<16xi32>
    %swap3A_15 = vector.shape_cast %add3A_12 : vector<16xi32> to vector<16xi32>
    tpu.vector_store %arg6[%swap3A], %swap3A_15 {strides = array<i32>} : memref<32xi32, #tpu.memory_space<vmem>>, vector<16xi32>,
    %iota3A_16 = tpu.iota {dimensions = array<i32: 0>} : vector<16xi32>
    %add3A_17 = arith.constant 16 : i32
    %add3A_18 = arith.addi %mul3A_2, %add3A_17 : i32
    %add3A_19 = vector.broadcast %add3A_18 : i32 to vector<16xi32>
    %add3A_20 = arith.addi %iota3A_16, %add3A_19 : vector<16xi32>
    %mul3A_21 = arith.constant 100000 : i32
    %mul3A_22 = vector.broadcast %mul3A_21 : i32 to vector<16xi32>
    %mul3A_23 = arith.muli %add3A_20, %mul3A_22 : vector<16xi32>
    %get3A_24 = arith.constant 16 : index
    %get3A_25 = tpu.vector_load %arg5[%get3A_24] {strides = array<i32>} : memref<32xi32, #tpu.memory_space<vmem>>, vector<16xi32>,
    %get3A_26 = vector.shape_cast %get3A_25 : vector<16xi32> to vector<16xi32>
    %add3A_27 = arith.addi %mul3A_23, %get3A_26 : vector<16xi32>
    %swap3A_28 = arith.constant 16 : index
    %swap3A_29 = tpu.vector_load %arg6[%swap3A_28] {strides = array<i32>} : memref<32xi32, #tpu.memory_space<vmem>>, vector<16xi32>,
    %swap3A_30 = vector.shape_cast %swap3A_29 : vector<16xi32> to vector<16xi32>
    %swap3A_31 = vector.shape_cast %add3A_27 : vector<16xi32> to vector<16xi32>
    tpu.vector_store %arg6[%swap3A_28], %swap3A_31 {strides = array<i32>} : memref<32xi32, #tpu.memory_space<vmem>>, vector<16xi32>,
    %dma_start3A = arith.constant 0 : i32
    %dma_start3A_32 = tpu.memref_slice %arg2[%dma_start3A] : memref<102400000xf32, #tpu.memory_space<hbm>> -> memref<102400000xf32, #tpu.memory_space<hbm>>
    tpu.enqueue_indirect_dma source(%dma_start3A_32 : memref<102400000xf32, #tpu.memory_space<hbm>>) target(%arg7 : memref<32xf32, #tpu.memory_space<vmem>>) offsets(%arg6 : memref<32xi32, #tpu.memory_space<vmem>>) semaphore(%arg8 : memref<!tpu.dma_semaphore, #tpu.memory_space<semaphore_mem>>)
    %dma_wait3A = arith.constant 0 : i32
    %dma_wait3A_33 = tpu.memref_slice %arg2[%dma_wait3A] : memref<102400000xf32, #tpu.memory_space<hbm>> -> memref<102400000xf32, #tpu.memory_space<hbm>>
    tpu.wait_indirect_dma semaphore(%arg8 : memref<!tpu.dma_semaphore, #tpu.memory_space<semaphore_mem>>) src(%dma_wait3A_33 : memref<102400000xf32, #tpu.memory_space<hbm>>) dst(%arg7 : memref<32xf32, #tpu.memory_space<vmem>>)
    "tpu.region"() ({
      %run_scoped3A = tpu.sem_alloc : memref<!tpu.dma_semaphore, #tpu.memory_space<semaphore_mem>>
      %dma_start3A_34 = tpu.memref_slice %arg4[%mul3A_2] : memref<1024xf32, #tpu.memory_space<hbm>> -> memref<32xf32, #tpu.memory_space<hbm>>
      %dma_start3A_35 = tpu.memref_slice %arg4[%mul3A_2] : memref<1024xf32, #tpu.memory_space<hbm>> -> memref<32xf32, #tpu.memory_space<hbm>>
      tpu.enqueue_dma source(%arg7 : memref<32xf32, #tpu.memory_space<vmem>>) target(%dma_start3A_35 : memref<32xf32, #tpu.memory_space<hbm>>) target_semaphore(%run_scoped3A : memref<!tpu.dma_semaphore, #tpu.memory_space<semaphore_mem>>)
      %dma_wait3A_36 = tpu.memref_slice %arg4[%mul3A_2] : memref<1024xf32, #tpu.memory_space<hbm>> -> memref<32xf32, #tpu.memory_space<hbm>>
      %dma_wait3A_37 = tpu.memref_slice %arg4[%mul3A_2] : memref<1024xf32, #tpu.memory_space<hbm>> -> memref<32xf32, #tpu.memory_space<hbm>>
      tpu.wait_dma2 semaphore(%run_scoped3A : memref<!tpu.dma_semaphore, #tpu.memory_space<semaphore_mem>>) src(%arg7 : memref<32xf32, #tpu.memory_space<vmem>>) dst(%dma_wait3A_37 : memref<32xf32, #tpu.memory_space<hbm>>)
      tpu.yield
    }) : () -> ()
    return
  }
}

module attributes {stable_mosaic.version = 14 : i64} {
  func.func @_topk_kernel(%arg0: i32, %arg1: i32, %arg2: memref<1x1x8xf32, #tpu.memory_space<vmem>>, %arg3: memref<8x8192xf32, #tpu.memory_space<vmem>>, %arg4: memref<1x1x8xf32, #tpu.memory_space<vmem>>, %arg5: memref<8x512xf32, #tpu.memory_space<vmem>>, %arg6: memref<8x512xf32, #tpu.memory_space<vmem>>, %arg7: memref<8x512xf32, #tpu.memory_space<vmem>>) attributes {dimension_semantics = [#tpu.dimension_semantics<arbitrary>, #tpu.dimension_semantics<arbitrary>], iteration_bounds = array<i64: 128, 13>, scalar_prefetch = 0 : i64, scratch_operands = 3 : i64, tpu.core_type = #tpu.core_type<tc>, window_params = [{transform_indices = @transform_0, window_bounds = array<i64: 1, 1, 8>}, {transform_indices = @transform_1, window_bounds = array<i64: 8, 8192>}, {transform_indices = @transform_2, window_bounds = array<i64: 1, 1, 8>}]} {
    %eq3A = arith.constant 0 : i32
    %eq3A_0 = arith.cmpi eq, %arg1, %eq3A : i32
    %convert_element_type3A = arith.extui %eq3A_0 : i1 to i32
    %cond3A = arith.constant 0 : i32
    %cond3A_1 = arith.cmpi ne, %convert_element_type3A, %cond3A : i32
    scf.if %cond3A_1 {
      %broadcast_in_dim3A = arith.constant 0xFF800000 : f32
      %broadcast_in_dim3A_11 = vector.broadcast %broadcast_in_dim3A : f32 to vector<8x512xf32>
      %swap3A = arith.constant 0 : index
      %swap3A_12 = arith.constant 0 : index
      %swap3A_13 = vector.load %arg5[%swap3A, %swap3A_12] : memref<8x512xf32, #tpu.memory_space<vmem>>, vector<8x512xf32>
      tpu.vector_store %arg5[%swap3A, %swap3A_12], %broadcast_in_dim3A_11 {strides = array<i32>} : memref<8x512xf32, #tpu.memory_space<vmem>>, vector<8x512xf32>,
      %broadcast_in_dim3A_14 = arith.constant 0xFF800000 : f32
      %broadcast_in_dim3A_15 = vector.broadcast %broadcast_in_dim3A_14 : f32 to vector<8x512xf32>
      %swap3A_16 = arith.constant 0 : index
      %swap3A_17 = arith.constant 0 : index
      %swap3A_18 = vector.load %arg6[%swap3A_16, %swap3A_17] : memref<8x512xf32, #tpu.memory_space<vmem>>, vector<8x512xf32>
      tpu.vector_store %arg6[%swap3A_16, %swap3A_17], %broadcast_in_dim3A_15 {strides = array<i32>} : memref<8x512xf32, #tpu.memory_space<vmem>>, vector<8x512xf32>,
      %broadcast_in_dim3A_19 = arith.constant 0xFF800000 : f32
      %broadcast_in_dim3A_20 = vector.broadcast %broadcast_in_dim3A_19 : f32 to vector<8x512xf32>
      %swap3A_21 = arith.constant 0 : index
      %swap3A_22 = arith.constant 0 : index
      %swap3A_23 = vector.load %arg7[%swap3A_21, %swap3A_22] : memref<8x512xf32, #tpu.memory_space<vmem>>, vector<8x512xf32>
      tpu.vector_store %arg7[%swap3A_21, %swap3A_22], %broadcast_in_dim3A_20 {strides = array<i32>} : memref<8x512xf32, #tpu.memory_space<vmem>>, vector<8x512xf32>,
    } else {
    }
    %iota3A = tpu.iota {dimensions = array<i32: 1>} : vector<8x128xi32>
    %lt3A = arith.constant 12 : i32
    %lt3A_2 = arith.cmpi slt, %arg1, %lt3A : i32
    %convert_element_type3A_3 = arith.extui %lt3A_2 : i1 to i32
    %cond3A_4 = arith.constant 0 : i32
    %cond3A_5 = arith.cmpi ne, %convert_element_type3A_3, %cond3A_4 : i32
    scf.if %cond3A_5 {
      %get3A = arith.constant 0 : index
      %get3A_11 = arith.constant 0 : index
      %get3A_12 = vector.load %arg5[%get3A, %get3A_11] : memref<8x512xf32, #tpu.memory_space<vmem>>, vector<8x128xf32>
      %get3A_13 = arith.constant 0 : index
      %get3A_14 = arith.constant 128 : index
      %get3A_15 = vector.load %arg5[%get3A_13, %get3A_14] : memref<8x512xf32, #tpu.memory_space<vmem>>, vector<8x128xf32>
      %get3A_16 = arith.constant 0 : index
      %get3A_17 = arith.constant 256 : index
      %get3A_18 = vector.load %arg5[%get3A_16, %get3A_17] : memref<8x512xf32, #tpu.memory_space<vmem>>, vector<8x128xf32>
      %get3A_19 = arith.constant 0 : index
      %get3A_20 = arith.constant 384 : index
      %get3A_21 = vector.load %arg5[%get3A_19, %get3A_20] : memref<8x512xf32, #tpu.memory_space<vmem>>, vector<8x128xf32>
      %get3A_22 = arith.constant 0 : index
      %get3A_23 = arith.constant 0 : index
      %get3A_24 = vector.load %arg6[%get3A_22, %get3A_23] : memref<8x512xf32, #tpu.memory_space<vmem>>, vector<8x128xf32>
      %get3A_25 = arith.constant 0 : index
      %get3A_26 = arith.constant 128 : index
      %get3A_27 = vector.load %arg6[%get3A_25, %get3A_26] : memref<8x512xf32, #tpu.memory_space<vmem>>, vector<8x128xf32>
      %get3A_28 = arith.constant 0 : index
      %get3A_29 = arith.constant 256 : index
      %get3A_30 = vector.load %arg6[%get3A_28, %get3A_29] : memref<8x512xf32, #tpu.memory_space<vmem>>, vector<8x128xf32>
      %get3A_31 = arith.constant 0 : index
      %get3A_32 = arith.constant 384 : index
      %get3A_33 = vector.load %arg6[%get3A_31, %get3A_32] : memref<8x512xf32, #tpu.memory_space<vmem>>, vector<8x128xf32>
      %get3A_34 = arith.constant 0 : index
      %get3A_35 = arith.constant 0 : index
      %get3A_36 = vector.load %arg7[%get3A_34, %get3A_35] : memref<8x512xf32, #tpu.memory_space<vmem>>, vector<8x128xf32>
      %get3A_37 = arith.constant 0 : index
      %get3A_38 = arith.constant 128 : index
      %get3A_39 = vector.load %arg7[%get3A_37, %get3A_38] : memref<8x512xf32, #tpu.memory_space<vmem>>, vector<8x128xf32>
      %get3A_40 = arith.constant 0 : index
      %get3A_41 = arith.constant 256 : index
      %get3A_42 = vector.load %arg7[%get3A_40, %get3A_41] : memref<8x512xf32, #tpu.memory_space<vmem>>, vector<8x128xf32>
      %get3A_43 = arith.constant 0 : index
      %get3A_44 = arith.constant 384 : index
      %get3A_45 = vector.load %arg7[%get3A_43, %get3A_44] : memref<8x512xf32, #tpu.memory_space<vmem>>, vector<8x128xf32>
      %scan3A = arith.constant 0 : i32
      %scan3A_46 = arith.constant 16 : i32
      %scan3A_47 = arith.addi %scan3A, %scan3A_46 : i32
      %scan3A_48 = arith.constant 1 : i32
      %scan3A_49:12 = scf.for %scan3A_61 = %scan3A to %scan3A_47 step %scan3A_48 iter_args(%scan3A_62 = %get3A_12, %scan3A_63 = %get3A_15, %scan3A_64 = %get3A_18, %scan3A_65 = %get3A_21, %scan3A_66 = %get3A_24, %scan3A_67 = %get3A_27, %scan3A_68 = %get3A_30, %scan3A_69 = %get3A_33, %scan3A_70 = %get3A_36, %scan3A_71 = %get3A_39, %scan3A_72 = %get3A_42, %scan3A_73 = %get3A_45) -> (vector<8x128xf32>, vector<8x128xf32>, vector<8x128xf32>, vector<8x128xf32>, vector<8x128xf32>, vector<8x128xf32>, vector<8x128xf32>, vector<8x128xf32>, vector<8x128xf32>, vector<8x128xf32>, vector<8x128xf32>, vector<8x128xf32>)  : i32 {
        %mul3A = arith.constant 512 : i32
        %mul3A_74 = arith.muli %scan3A_61, %mul3A : i32
        %add3A = arith.constant 0 : i32
        %add3A_75 = arith.addi %mul3A_74, %add3A : i32
        %get3A_76 = arith.constant 0 : index
        %get3A_77 = arith.index_cast %add3A_75 : i32 to index
        %get3A_78 = vector.load %arg3[%get3A_76, %get3A_77] : memref<8x8192xf32, #tpu.memory_space<vmem>>, vector<8x128xf32>
        %max3A = arith.maximumf %scan3A_62, %get3A_78 : vector<8x128xf32>
        %max3A_79 = arith.maximumf %scan3A_66, %get3A_78 : vector<8x128xf32>
        %min3A = arith.minimumf %scan3A_62, %max3A_79 : vector<8x128xf32>
        %max3A_80 = arith.maximumf %scan3A_70, %get3A_78 : vector<8x128xf32>
        %min3A_81 = arith.minimumf %scan3A_66, %max3A_80 : vector<8x128xf32>
        %add3A_82 = arith.constant 128 : i32
        %add3A_83 = arith.addi %mul3A_74, %add3A_82 : i32
        %get3A_84 = arith.constant 0 : index
        %get3A_85 = arith.index_cast %add3A_83 : i32 to index
        %get3A_86 = vector.load %arg3[%get3A_84, %get3A_85] : memref<8x8192xf32, #tpu.memory_space<vmem>>, vector<8x128xf32>
        %max3A_87 = arith.maximumf %scan3A_63, %get3A_86 : vector<8x128xf32>
        %max3A_88 = arith.maximumf %scan3A_67, %get3A_86 : vector<8x128xf32>
        %min3A_89 = arith.minimumf %scan3A_63, %max3A_88 : vector<8x128xf32>
        %max3A_90 = arith.maximumf %scan3A_71, %get3A_86 : vector<8x128xf32>
        %min3A_91 = arith.minimumf %scan3A_67, %max3A_90 : vector<8x128xf32>
        %add3A_92 = arith.constant 256 : i32
        %add3A_93 = arith.addi %mul3A_74, %add3A_92 : i32
        %get3A_94 = arith.constant 0 : index
        %get3A_95 = arith.index_cast %add3A_93 : i32 to index
        %get3A_96 = vector.load %arg3[%get3A_94, %get3A_95] : memref<8x8192xf32, #tpu.memory_space<vmem>>, vector<8x128xf32>
        %max3A_97 = arith.maximumf %scan3A_64, %get3A_96 : vector<8x128xf32>
        %max3A_98 = arith.maximumf %scan3A_68, %get3A_96 : vector<8x128xf32>
        %min3A_99 = arith.minimumf %scan3A_64, %max3A_98 : vector<8x128xf32>
        %max3A_100 = arith.maximumf %scan3A_72, %get3A_96 : vector<8x128xf32>
        %min3A_101 = arith.minimumf %scan3A_68, %max3A_100 : vector<8x128xf32>
        %add3A_102 = arith.constant 384 : i32
        %add3A_103 = arith.addi %mul3A_74, %add3A_102 : i32
        %get3A_104 = arith.constant 0 : index
        %get3A_105 = arith.index_cast %add3A_103 : i32 to index
        %get3A_106 = vector.load %arg3[%get3A_104, %get3A_105] : memref<8x8192xf32, #tpu.memory_space<vmem>>, vector<8x128xf32>
        %max3A_107 = arith.maximumf %scan3A_65, %get3A_106 : vector<8x128xf32>
        %max3A_108 = arith.maximumf %scan3A_69, %get3A_106 : vector<8x128xf32>
        %min3A_109 = arith.minimumf %scan3A_65, %max3A_108 : vector<8x128xf32>
        %max3A_110 = arith.maximumf %scan3A_73, %get3A_106 : vector<8x128xf32>
        %min3A_111 = arith.minimumf %scan3A_69, %max3A_110 : vector<8x128xf32>
        scf.yield %max3A, %max3A_87, %max3A_97, %max3A_107, %min3A, %min3A_89, %min3A_99, %min3A_109, %min3A_81, %min3A_91, %min3A_101, %min3A_111 : vector<8x128xf32>, vector<8x128xf32>, vector<8x128xf32>, vector<8x128xf32>, vector<8x128xf32>, vector<8x128xf32>, vector<8x128xf32>, vector<8x128xf32>, vector<8x128xf32>, vector<8x128xf32>, vector<8x128xf32>, vector<8x128xf32>
      }
      %scan3A_50 = arith.constant 16 : i32
      %concatenate3A = tpu.concatenate %scan3A_49#0, %scan3A_49#1, %scan3A_49#2, %scan3A_49#3 in 1 : vector<8x128xf32>, vector<8x128xf32>, vector<8x128xf32>, vector<8x128xf32> -> vector<8x512xf32>
      %swap3A = arith.constant 0 : index
      %swap3A_51 = arith.constant 0 : index
      %swap3A_52 = vector.load %arg5[%swap3A, %swap3A_51] : memref<8x512xf32, #tpu.memory_space<vmem>>, vector<8x512xf32>
      tpu.vector_store %arg5[%swap3A, %swap3A_51], %concatenate3A {strides = array<i32>} : memref<8x512xf32, #tpu.memory_space<vmem>>, vector<8x512xf32>,
      %concatenate3A_53 = tpu.concatenate %scan3A_49#4, %scan3A_49#5, %scan3A_49#6, %scan3A_49#7 in 1 : vector<8x128xf32>, vector<8x128xf32>, vector<8x128xf32>, vector<8x128xf32> -> vector<8x512xf32>
      %swap3A_54 = arith.constant 0 : index
      %swap3A_55 = arith.constant 0 : index
      %swap3A_56 = vector.load %arg6[%swap3A_54, %swap3A_55] : memref<8x512xf32, #tpu.memory_space<vmem>>, vector<8x512xf32>
      tpu.vector_store %arg6[%swap3A_54, %swap3A_55], %concatenate3A_53 {strides = array<i32>} : memref<8x512xf32, #tpu.memory_space<vmem>>, vector<8x512xf32>,
      %concatenate3A_57 = tpu.concatenate %scan3A_49#8, %scan3A_49#9, %scan3A_49#10, %scan3A_49#11 in 1 : vector<8x128xf32>, vector<8x128xf32>, vector<8x128xf32>, vector<8x128xf32> -> vector<8x512xf32>
      %swap3A_58 = arith.constant 0 : index
      %swap3A_59 = arith.constant 0 : index
      %swap3A_60 = vector.load %arg7[%swap3A_58, %swap3A_59] : memref<8x512xf32, #tpu.memory_space<vmem>>, vector<8x512xf32>
      tpu.vector_store %arg7[%swap3A_58, %swap3A_59], %concatenate3A_57 {strides = array<i32>} : memref<8x512xf32, #tpu.memory_space<vmem>>, vector<8x512xf32>,
    } else {
    }
    %eq3A_6 = arith.constant 12 : i32
    %eq3A_7 = arith.cmpi eq, %arg1, %eq3A_6 : i32
    %convert_element_type3A_8 = arith.extui %eq3A_7 : i1 to i32
    %cond3A_9 = arith.constant 0 : i32
    %cond3A_10 = arith.cmpi ne, %convert_element_type3A_8, %cond3A_9 : i32
    scf.if %cond3A_10 {
      %mul3A = arith.constant 8192 : i32
      %mul3A_11 = arith.muli %arg1, %mul3A : i32
      %get3A = arith.constant 0 : index
      %get3A_12 = arith.constant 0 : index
      %get3A_13 = vector.load %arg5[%get3A, %get3A_12] : memref<8x512xf32, #tpu.memory_space<vmem>>, vector<8x128xf32>
      %get3A_14 = arith.constant 0 : index
      %get3A_15 = arith.constant 128 : index
      %get3A_16 = vector.load %arg5[%get3A_14, %get3A_15] : memref<8x512xf32, #tpu.memory_space<vmem>>, vector<8x128xf32>
      %get3A_17 = arith.constant 0 : index
      %get3A_18 = arith.constant 256 : index
      %get3A_19 = vector.load %arg5[%get3A_17, %get3A_18] : memref<8x512xf32, #tpu.memory_space<vmem>>, vector<8x128xf32>
      %get3A_20 = arith.constant 0 : index
      %get3A_21 = arith.constant 384 : index
      %get3A_22 = vector.load %arg5[%get3A_20, %get3A_21] : memref<8x512xf32, #tpu.memory_space<vmem>>, vector<8x128xf32>
      %get3A_23 = arith.constant 0 : index
      %get3A_24 = arith.constant 0 : index
      %get3A_25 = vector.load %arg6[%get3A_23, %get3A_24] : memref<8x512xf32, #tpu.memory_space<vmem>>, vector<8x128xf32>
      %get3A_26 = arith.constant 0 : index
      %get3A_27 = arith.constant 128 : index
      %get3A_28 = vector.load %arg6[%get3A_26, %get3A_27] : memref<8x512xf32, #tpu.memory_space<vmem>>, vector<8x128xf32>
      %get3A_29 = arith.constant 0 : index
      %get3A_30 = arith.constant 256 : index
      %get3A_31 = vector.load %arg6[%get3A_29, %get3A_30] : memref<8x512xf32, #tpu.memory_space<vmem>>, vector<8x128xf32>
      %get3A_32 = arith.constant 0 : index
      %get3A_33 = arith.constant 384 : index
      %get3A_34 = vector.load %arg6[%get3A_32, %get3A_33] : memref<8x512xf32, #tpu.memory_space<vmem>>, vector<8x128xf32>
      %get3A_35 = arith.constant 0 : index
      %get3A_36 = arith.constant 0 : index
      %get3A_37 = vector.load %arg7[%get3A_35, %get3A_36] : memref<8x512xf32, #tpu.memory_space<vmem>>, vector<8x128xf32>
      %get3A_38 = arith.constant 0 : index
      %get3A_39 = arith.constant 128 : index
      %get3A_40 = vector.load %arg7[%get3A_38, %get3A_39] : memref<8x512xf32, #tpu.memory_space<vmem>>, vector<8x128xf32>
      %get3A_41 = arith.constant 0 : index
      %get3A_42 = arith.constant 256 : index
      %get3A_43 = vector.load %arg7[%get3A_41, %get3A_42] : memref<8x512xf32, #tpu.memory_space<vmem>>, vector<8x128xf32>
      %get3A_44 = arith.constant 0 : index
      %get3A_45 = arith.constant 384 : index
      %get3A_46 = vector.load %arg7[%get3A_44, %get3A_45] : memref<8x512xf32, #tpu.memory_space<vmem>>, vector<8x128xf32>
      %get3A_47 = arith.constant 0 : index
      %get3A_48 = arith.constant 0 : index
      %get3A_49 = vector.load %arg3[%get3A_47, %get3A_48] : memref<8x8192xf32, #tpu.memory_space<vmem>>, vector<8x128xf32>
      %add3A = arith.constant 0 : i32
      %add3A_50 = arith.addi %mul3A_11, %add3A : i32
      %add3A_51 = vector.broadcast %add3A_50 : i32 to vector<8x128xi32>
      %add3A_52 = arith.addi %iota3A, %add3A_51 : vector<8x128xi32>
      %lt3A_53 = arith.constant 100000 : i32
      %lt3A_54 = vector.broadcast %lt3A_53 : i32 to vector<8x128xi32>
      %lt3A_55 = arith.cmpi slt, %add3A_52, %lt3A_54 : vector<8x128xi32>
      %jit3A = arith.constant 0xFF800000 : f32
      %broadcast_in_dim3A = vector.broadcast %jit3A : f32 to vector<8x128xf32>
      %select_n3A = arith.select %lt3A_55, %get3A_49, %broadcast_in_dim3A : vector<8x128xi1>, vector<8x128xf32>
      %max3A = arith.maximumf %get3A_13, %select_n3A : vector<8x128xf32>
      %max3A_56 = arith.maximumf %get3A_25, %select_n3A : vector<8x128xf32>
      %min3A = arith.minimumf %get3A_13, %max3A_56 : vector<8x128xf32>
      %max3A_57 = arith.maximumf %get3A_37, %select_n3A : vector<8x128xf32>
      %min3A_58 = arith.minimumf %get3A_25, %max3A_57 : vector<8x128xf32>
      %get3A_59 = arith.constant 0 : index
      %get3A_60 = arith.constant 128 : index
      %get3A_61 = vector.load %arg3[%get3A_59, %get3A_60] : memref<8x8192xf32, #tpu.memory_space<vmem>>, vector<8x128xf32>
      %add3A_62 = arith.constant 128 : i32
      %add3A_63 = arith.addi %mul3A_11, %add3A_62 : i32
      %add3A_64 = vector.broadcast %add3A_63 : i32 to vector<8x128xi32>
      %add3A_65 = arith.addi %iota3A, %add3A_64 : vector<8x128xi32>
      %lt3A_66 = arith.constant 100000 : i32
      %lt3A_67 = vector.broadcast %lt3A_66 : i32 to vector<8x128xi32>
      %lt3A_68 = arith.cmpi slt, %add3A_65, %lt3A_67 : vector<8x128xi32>
      %jit3A_69 = arith.constant 0xFF800000 : f32
      %broadcast_in_dim3A_70 = vector.broadcast %jit3A_69 : f32 to vector<8x128xf32>
      %select_n3A_71 = arith.select %lt3A_68, %get3A_61, %broadcast_in_dim3A_70 : vector<8x128xi1>, vector<8x128xf32>
      %max3A_72 = arith.maximumf %get3A_16, %select_n3A_71 : vector<8x128xf32>
      %max3A_73 = arith.maximumf %get3A_28, %select_n3A_71 : vector<8x128xf32>
      %min3A_74 = arith.minimumf %get3A_16, %max3A_73 : vector<8x128xf32>
      %max3A_75 = arith.maximumf %get3A_40, %select_n3A_71 : vector<8x128xf32>
      %min3A_76 = arith.minimumf %get3A_28, %max3A_75 : vector<8x128xf32>
      %get3A_77 = arith.constant 0 : index
      %get3A_78 = arith.constant 256 : index
      %get3A_79 = vector.load %arg3[%get3A_77, %get3A_78] : memref<8x8192xf32, #tpu.memory_space<vmem>>, vector<8x128xf32>
      %add3A_80 = arith.constant 256 : i32
      %add3A_81 = arith.addi %mul3A_11, %add3A_80 : i32
      %add3A_82 = vector.broadcast %add3A_81 : i32 to vector<8x128xi32>
      %add3A_83 = arith.addi %iota3A, %add3A_82 : vector<8x128xi32>
      %lt3A_84 = arith.constant 100000 : i32
      %lt3A_85 = vector.broadcast %lt3A_84 : i32 to vector<8x128xi32>
      %lt3A_86 = arith.cmpi slt, %add3A_83, %lt3A_85 : vector<8x128xi32>
      %jit3A_87 = arith.constant 0xFF800000 : f32
      %broadcast_in_dim3A_88 = vector.broadcast %jit3A_87 : f32 to vector<8x128xf32>
      %select_n3A_89 = arith.select %lt3A_86, %get3A_79, %broadcast_in_dim3A_88 : vector<8x128xi1>, vector<8x128xf32>
      %max3A_90 = arith.maximumf %get3A_19, %select_n3A_89 : vector<8x128xf32>
      %max3A_91 = arith.maximumf %get3A_31, %select_n3A_89 : vector<8x128xf32>
      %min3A_92 = arith.minimumf %get3A_19, %max3A_91 : vector<8x128xf32>
      %max3A_93 = arith.maximumf %get3A_43, %select_n3A_89 : vector<8x128xf32>
      %min3A_94 = arith.minimumf %get3A_31, %max3A_93 : vector<8x128xf32>
      %get3A_95 = arith.constant 0 : index
      %get3A_96 = arith.constant 384 : index
      %get3A_97 = vector.load %arg3[%get3A_95, %get3A_96] : memref<8x8192xf32, #tpu.memory_space<vmem>>, vector<8x128xf32>
      %add3A_98 = arith.constant 384 : i32
      %add3A_99 = arith.addi %mul3A_11, %add3A_98 : i32
      %add3A_100 = vector.broadcast %add3A_99 : i32 to vector<8x128xi32>
      %add3A_101 = arith.addi %iota3A, %add3A_100 : vector<8x128xi32>
      %lt3A_102 = arith.constant 100000 : i32
      %lt3A_103 = vector.broadcast %lt3A_102 : i32 to vector<8x128xi32>
      %lt3A_104 = arith.cmpi slt, %add3A_101, %lt3A_103 : vector<8x128xi32>
      %jit3A_105 = arith.constant 0xFF800000 : f32
      %broadcast_in_dim3A_106 = vector.broadcast %jit3A_105 : f32 to vector<8x128xf32>
      %select_n3A_107 = arith.select %lt3A_104, %get3A_97, %broadcast_in_dim3A_106 : vector<8x128xi1>, vector<8x128xf32>
      %max3A_108 = arith.maximumf %get3A_22, %select_n3A_107 : vector<8x128xf32>
      %max3A_109 = arith.maximumf %get3A_34, %select_n3A_107 : vector<8x128xf32>
      %min3A_110 = arith.minimumf %get3A_22, %max3A_109 : vector<8x128xf32>
      %max3A_111 = arith.maximumf %get3A_46, %select_n3A_107 : vector<8x128xf32>
      %min3A_112 = arith.minimumf %get3A_34, %max3A_111 : vector<8x128xf32>
      %get3A_113 = arith.constant 0 : index
      %get3A_114 = arith.constant 512 : index
      %get3A_115 = vector.load %arg3[%get3A_113, %get3A_114] : memref<8x8192xf32, #tpu.memory_space<vmem>>, vector<8x128xf32>
      %add3A_116 = arith.constant 512 : i32
      %add3A_117 = arith.addi %mul3A_11, %add3A_116 : i32
      %add3A_118 = vector.broadcast %add3A_117 : i32 to vector<8x128xi32>
      %add3A_119 = arith.addi %iota3A, %add3A_118 : vector<8x128xi32>
      %lt3A_120 = arith.constant 100000 : i32
      %lt3A_121 = vector.broadcast %lt3A_120 : i32 to vector<8x128xi32>
      %lt3A_122 = arith.cmpi slt, %add3A_119, %lt3A_121 : vector<8x128xi32>
      %jit3A_123 = arith.constant 0xFF800000 : f32
      %broadcast_in_dim3A_124 = vector.broadcast %jit3A_123 : f32 to vector<8x128xf32>
      %select_n3A_125 = arith.select %lt3A_122, %get3A_115, %broadcast_in_dim3A_124 : vector<8x128xi1>, vector<8x128xf32>
      %max3A_126 = arith.maximumf %max3A, %select_n3A_125 : vector<8x128xf32>
      %max3A_127 = arith.maximumf %min3A, %select_n3A_125 : vector<8x128xf32>
      %min3A_128 = arith.minimumf %max3A, %max3A_127 : vector<8x128xf32>
      %max3A_129 = arith.maximumf %min3A_58, %select_n3A_125 : vector<8x128xf32>
      %min3A_130 = arith.minimumf %min3A, %max3A_129 : vector<8x128xf32>
      %get3A_131 = arith.constant 0 : index
      %get3A_132 = arith.constant 640 : index
      %get3A_133 = vector.load %arg3[%get3A_131, %get3A_132] : memref<8x8192xf32, #tpu.memory_space<vmem>>, vector<8x128xf32>
      %add3A_134 = arith.constant 640 : i32
      %add3A_135 = arith.addi %mul3A_11, %add3A_134 : i32
      %add3A_136 = vector.broadcast %add3A_135 : i32 to vector<8x128xi32>
      %add3A_137 = arith.addi %iota3A, %add3A_136 : vector<8x128xi32>
      %lt3A_138 = arith.constant 100000 : i32
      %lt3A_139 = vector.broadcast %lt3A_138 : i32 to vector<8x128xi32>
      %lt3A_140 = arith.cmpi slt, %add3A_137, %lt3A_139 : vector<8x128xi32>
      %jit3A_141 = arith.constant 0xFF800000 : f32
      %broadcast_in_dim3A_142 = vector.broadcast %jit3A_141 : f32 to vector<8x128xf32>
      %select_n3A_143 = arith.select %lt3A_140, %get3A_133, %broadcast_in_dim3A_142 : vector<8x128xi1>, vector<8x128xf32>
      %max3A_144 = arith.maximumf %max3A_72, %select_n3A_143 : vector<8x128xf32>
      %max3A_145 = arith.maximumf %min3A_74, %select_n3A_143 : vector<8x128xf32>
      %min3A_146 = arith.minimumf %max3A_72, %max3A_145 : vector<8x128xf32>
      %max3A_147 = arith.maximumf %min3A_76, %select_n3A_143 : vector<8x128xf32>
      %min3A_148 = arith.minimumf %min3A_74, %max3A_147 : vector<8x128xf32>
      %get3A_149 = arith.constant 0 : index
      %get3A_150 = arith.constant 768 : index
      %get3A_151 = vector.load %arg3[%get3A_149, %get3A_150] : memref<8x8192xf32, #tpu.memory_space<vmem>>, vector<8x128xf32>
      %add3A_152 = arith.constant 768 : i32
      %add3A_153 = arith.addi %mul3A_11, %add3A_152 : i32
      %add3A_154 = vector.broadcast %add3A_153 : i32 to vector<8x128xi32>
      %add3A_155 = arith.addi %iota3A, %add3A_154 : vector<8x128xi32>
      %lt3A_156 = arith.constant 100000 : i32
      %lt3A_157 = vector.broadcast %lt3A_156 : i32 to vector<8x128xi32>
      %lt3A_158 = arith.cmpi slt, %add3A_155, %lt3A_157 : vector<8x128xi32>
      %jit3A_159 = arith.constant 0xFF800000 : f32
      %broadcast_in_dim3A_160 = vector.broadcast %jit3A_159 : f32 to vector<8x128xf32>
      %select_n3A_161 = arith.select %lt3A_158, %get3A_151, %broadcast_in_dim3A_160 : vector<8x128xi1>, vector<8x128xf32>
      %max3A_162 = arith.maximumf %max3A_90, %select_n3A_161 : vector<8x128xf32>
      %max3A_163 = arith.maximumf %min3A_92, %select_n3A_161 : vector<8x128xf32>
      %min3A_164 = arith.minimumf %max3A_90, %max3A_163 : vector<8x128xf32>
      %max3A_165 = arith.maximumf %min3A_94, %select_n3A_161 : vector<8x128xf32>
      %min3A_166 = arith.minimumf %min3A_92, %max3A_165 : vector<8x128xf32>
      %get3A_167 = arith.constant 0 : index
      %get3A_168 = arith.constant 896 : index
      %get3A_169 = vector.load %arg3[%get3A_167, %get3A_168] : memref<8x8192xf32, #tpu.memory_space<vmem>>, vector<8x128xf32>
      %add3A_170 = arith.constant 896 : i32
      %add3A_171 = arith.addi %mul3A_11, %add3A_170 : i32
      %add3A_172 = vector.broadcast %add3A_171 : i32 to vector<8x128xi32>
      %add3A_173 = arith.addi %iota3A, %add3A_172 : vector<8x128xi32>
      %lt3A_174 = arith.constant 100000 : i32
      %lt3A_175 = vector.broadcast %lt3A_174 : i32 to vector<8x128xi32>
      %lt3A_176 = arith.cmpi slt, %add3A_173, %lt3A_175 : vector<8x128xi32>
      %jit3A_177 = arith.constant 0xFF800000 : f32
      %broadcast_in_dim3A_178 = vector.broadcast %jit3A_177 : f32 to vector<8x128xf32>
      %select_n3A_179 = arith.select %lt3A_176, %get3A_169, %broadcast_in_dim3A_178 : vector<8x128xi1>, vector<8x128xf32>
      %max3A_180 = arith.maximumf %max3A_108, %select_n3A_179 : vector<8x128xf32>
      %max3A_181 = arith.maximumf %min3A_110, %select_n3A_179 : vector<8x128xf32>
      %min3A_182 = arith.minimumf %max3A_108, %max3A_181 : vector<8x128xf32>
      %max3A_183 = arith.maximumf %min3A_112, %select_n3A_179 : vector<8x128xf32>
      %min3A_184 = arith.minimumf %min3A_110, %max3A_183 : vector<8x128xf32>
      %get3A_185 = arith.constant 0 : index
      %get3A_186 = arith.constant 1024 : index
      %get3A_187 = vector.load %arg3[%get3A_185, %get3A_186] : memref<8x8192xf32, #tpu.memory_space<vmem>>, vector<8x128xf32>
      %add3A_188 = arith.constant 1024 : i32
      %add3A_189 = arith.addi %mul3A_11, %add3A_188 : i32
      %add3A_190 = vector.broadcast %add3A_189 : i32 to vector<8x128xi32>
      %add3A_191 = arith.addi %iota3A, %add3A_190 : vector<8x128xi32>
      %lt3A_192 = arith.constant 100000 : i32
      %lt3A_193 = vector.broadcast %lt3A_192 : i32 to vector<8x128xi32>
      %lt3A_194 = arith.cmpi slt, %add3A_191, %lt3A_193 : vector<8x128xi32>
      %jit3A_195 = arith.constant 0xFF800000 : f32
      %broadcast_in_dim3A_196 = vector.broadcast %jit3A_195 : f32 to vector<8x128xf32>
      %select_n3A_197 = arith.select %lt3A_194, %get3A_187, %broadcast_in_dim3A_196 : vector<8x128xi1>, vector<8x128xf32>
      %max3A_198 = arith.maximumf %max3A_126, %select_n3A_197 : vector<8x128xf32>
      %max3A_199 = arith.maximumf %min3A_128, %select_n3A_197 : vector<8x128xf32>
      %min3A_200 = arith.minimumf %max3A_126, %max3A_199 : vector<8x128xf32>
      %max3A_201 = arith.maximumf %min3A_130, %select_n3A_197 : vector<8x128xf32>
      %min3A_202 = arith.minimumf %min3A_128, %max3A_201 : vector<8x128xf32>
      %get3A_203 = arith.constant 0 : index
      %get3A_204 = arith.constant 1152 : index
      %get3A_205 = vector.load %arg3[%get3A_203, %get3A_204] : memref<8x8192xf32, #tpu.memory_space<vmem>>, vector<8x128xf32>
      %add3A_206 = arith.constant 1152 : i32
      %add3A_207 = arith.addi %mul3A_11, %add3A_206 : i32
      %add3A_208 = vector.broadcast %add3A_207 : i32 to vector<8x128xi32>
      %add3A_209 = arith.addi %iota3A, %add3A_208 : vector<8x128xi32>
      %lt3A_210 = arith.constant 100000 : i32
      %lt3A_211 = vector.broadcast %lt3A_210 : i32 to vector<8x128xi32>
      %lt3A_212 = arith.cmpi slt, %add3A_209, %lt3A_211 : vector<8x128xi32>
      %jit3A_213 = arith.constant 0xFF800000 : f32
      %broadcast_in_dim3A_214 = vector.broadcast %jit3A_213 : f32 to vector<8x128xf32>
      %select_n3A_215 = arith.select %lt3A_212, %get3A_205, %broadcast_in_dim3A_214 : vector<8x128xi1>, vector<8x128xf32>
      %max3A_216 = arith.maximumf %max3A_144, %select_n3A_215 : vector<8x128xf32>
      %max3A_217 = arith.maximumf %min3A_146, %select_n3A_215 : vector<8x128xf32>
      %min3A_218 = arith.minimumf %max3A_144, %max3A_217 : vector<8x128xf32>
      %max3A_219 = arith.maximumf %min3A_148, %select_n3A_215 : vector<8x128xf32>
      %min3A_220 = arith.minimumf %min3A_146, %max3A_219 : vector<8x128xf32>
      %get3A_221 = arith.constant 0 : index
      %get3A_222 = arith.constant 1280 : index
      %get3A_223 = vector.load %arg3[%get3A_221, %get3A_222] : memref<8x8192xf32, #tpu.memory_space<vmem>>, vector<8x128xf32>
      %add3A_224 = arith.constant 1280 : i32
      %add3A_225 = arith.addi %mul3A_11, %add3A_224 : i32
      %add3A_226 = vector.broadcast %add3A_225 : i32 to vector<8x128xi32>
      %add3A_227 = arith.addi %iota3A, %add3A_226 : vector<8x128xi32>
      %lt3A_228 = arith.constant 100000 : i32
      %lt3A_229 = vector.broadcast %lt3A_228 : i32 to vector<8x128xi32>
      %lt3A_230 = arith.cmpi slt, %add3A_227, %lt3A_229 : vector<8x128xi32>
      %jit3A_231 = arith.constant 0xFF800000 : f32
      %broadcast_in_dim3A_232 = vector.broadcast %jit3A_231 : f32 to vector<8x128xf32>
      %select_n3A_233 = arith.select %lt3A_230, %get3A_223, %broadcast_in_dim3A_232 : vector<8x128xi1>, vector<8x128xf32>
      %max3A_234 = arith.maximumf %max3A_162, %select_n3A_233 : vector<8x128xf32>
      %max3A_235 = arith.maximumf %min3A_164, %select_n3A_233 : vector<8x128xf32>
      %min3A_236 = arith.minimumf %max3A_162, %max3A_235 : vector<8x128xf32>
      %max3A_237 = arith.maximumf %min3A_166, %select_n3A_233 : vector<8x128xf32>
      %min3A_238 = arith.minimumf %min3A_164, %max3A_237 : vector<8x128xf32>
      %get3A_239 = arith.constant 0 : index
      %get3A_240 = arith.constant 1408 : index
      %get3A_241 = vector.load %arg3[%get3A_239, %get3A_240] : memref<8x8192xf32, #tpu.memory_space<vmem>>, vector<8x128xf32>
      %add3A_242 = arith.constant 1408 : i32
      %add3A_243 = arith.addi %mul3A_11, %add3A_242 : i32
      %add3A_244 = vector.broadcast %add3A_243 : i32 to vector<8x128xi32>
      %add3A_245 = arith.addi %iota3A, %add3A_244 : vector<8x128xi32>
      %lt3A_246 = arith.constant 100000 : i32
      %lt3A_247 = vector.broadcast %lt3A_246 : i32 to vector<8x128xi32>
      %lt3A_248 = arith.cmpi slt, %add3A_245, %lt3A_247 : vector<8x128xi32>
      %jit3A_249 = arith.constant 0xFF800000 : f32
      %broadcast_in_dim3A_250 = vector.broadcast %jit3A_249 : f32 to vector<8x128xf32>
      %select_n3A_251 = arith.select %lt3A_248, %get3A_241, %broadcast_in_dim3A_250 : vector<8x128xi1>, vector<8x128xf32>
      %max3A_252 = arith.maximumf %max3A_180, %select_n3A_251 : vector<8x128xf32>
      %max3A_253 = arith.maximumf %min3A_182, %select_n3A_251 : vector<8x128xf32>
      %min3A_254 = arith.minimumf %max3A_180, %max3A_253 : vector<8x128xf32>
      %max3A_255 = arith.maximumf %min3A_184, %select_n3A_251 : vector<8x128xf32>
      %min3A_256 = arith.minimumf %min3A_182, %max3A_255 : vector<8x128xf32>
      %get3A_257 = arith.constant 0 : index
      %get3A_258 = arith.constant 1536 : index
      %get3A_259 = vector.load %arg3[%get3A_257, %get3A_258] : memref<8x8192xf32, #tpu.memory_space<vmem>>, vector<8x128xf32>
      %add3A_260 = arith.constant 1536 : i32
      %add3A_261 = arith.addi %mul3A_11, %add3A_260 : i32
      %add3A_262 = vector.broadcast %add3A_261 : i32 to vector<8x128xi32>
      %add3A_263 = arith.addi %iota3A, %add3A_262 : vector<8x128xi32>
      %lt3A_264 = arith.constant 100000 : i32
      %lt3A_265 = vector.broadcast %lt3A_264 : i32 to vector<8x128xi32>
      %lt3A_266 = arith.cmpi slt, %add3A_263, %lt3A_265 : vector<8x128xi32>
      %jit3A_267 = arith.constant 0xFF800000 : f32
      %broadcast_in_dim3A_268 = vector.broadcast %jit3A_267 : f32 to vector<8x128xf32>
      %select_n3A_269 = arith.select %lt3A_266, %get3A_259, %broadcast_in_dim3A_268 : vector<8x128xi1>, vector<8x128xf32>
      %max3A_270 = arith.maximumf %max3A_198, %select_n3A_269 : vector<8x128xf32>
      %max3A_271 = arith.maximumf %min3A_200, %select_n3A_269 : vector<8x128xf32>
      %min3A_272 = arith.minimumf %max3A_198, %max3A_271 : vector<8x128xf32>
      %max3A_273 = arith.maximumf %min3A_202, %select_n3A_269 : vector<8x128xf32>
      %min3A_274 = arith.minimumf %min3A_200, %max3A_273 : vector<8x128xf32>
      %get3A_275 = arith.constant 0 : index
      %get3A_276 = arith.constant 1664 : index
      %get3A_277 = vector.load %arg3[%get3A_275, %get3A_276] : memref<8x8192xf32, #tpu.memory_space<vmem>>, vector<8x128xf32>
      %add3A_278 = arith.constant 1664 : i32
      %add3A_279 = arith.addi %mul3A_11, %add3A_278 : i32
      %add3A_280 = vector.broadcast %add3A_279 : i32 to vector<8x128xi32>
      %add3A_281 = arith.addi %iota3A, %add3A_280 : vector<8x128xi32>
      %lt3A_282 = arith.constant 100000 : i32
      %lt3A_283 = vector.broadcast %lt3A_282 : i32 to vector<8x128xi32>
      %lt3A_284 = arith.cmpi slt, %add3A_281, %lt3A_283 : vector<8x128xi32>
      %jit3A_285 = arith.constant 0xFF800000 : f32
      %broadcast_in_dim3A_286 = vector.broadcast %jit3A_285 : f32 to vector<8x128xf32>
      %select_n3A_287 = arith.select %lt3A_284, %get3A_277, %broadcast_in_dim3A_286 : vector<8x128xi1>, vector<8x128xf32>
      %max3A_288 = arith.maximumf %max3A_216, %select_n3A_287 : vector<8x128xf32>
      %max3A_289 = arith.maximumf %min3A_218, %select_n3A_287 : vector<8x128xf32>
      %min3A_290 = arith.minimumf %max3A_216, %max3A_289 : vector<8x128xf32>
      %max3A_291 = arith.maximumf %min3A_220, %select_n3A_287 : vector<8x128xf32>
      %min3A_292 = arith.minimumf %min3A_218, %max3A_291 : vector<8x128xf32>
      %concatenate3A = tpu.concatenate %max3A_270, %max3A_288, %max3A_234, %max3A_252 in 1 : vector<8x128xf32>, vector<8x128xf32>, vector<8x128xf32>, vector<8x128xf32> -> vector<8x512xf32>
      %swap3A = arith.constant 0 : index
      %swap3A_293 = arith.constant 0 : index
      %swap3A_294 = vector.load %arg5[%swap3A, %swap3A_293] : memref<8x512xf32, #tpu.memory_space<vmem>>, vector<8x512xf32>
      tpu.vector_store %arg5[%swap3A, %swap3A_293], %concatenate3A {strides = array<i32>} : memref<8x512xf32, #tpu.memory_space<vmem>>, vector<8x512xf32>,
      %concatenate3A_295 = tpu.concatenate %min3A_272, %min3A_290, %min3A_236, %min3A_254 in 1 : vector<8x128xf32>, vector<8x128xf32>, vector<8x128xf32>, vector<8x128xf32> -> vector<8x512xf32>
      %swap3A_296 = arith.constant 0 : index
      %swap3A_297 = arith.constant 0 : index
      %swap3A_298 = vector.load %arg6[%swap3A_296, %swap3A_297] : memref<8x512xf32, #tpu.memory_space<vmem>>, vector<8x512xf32>
      tpu.vector_store %arg6[%swap3A_296, %swap3A_297], %concatenate3A_295 {strides = array<i32>} : memref<8x512xf32, #tpu.memory_space<vmem>>, vector<8x512xf32>,
      %concatenate3A_299 = tpu.concatenate %min3A_274, %min3A_292, %min3A_238, %min3A_256 in 1 : vector<8x128xf32>, vector<8x128xf32>, vector<8x128xf32>, vector<8x128xf32> -> vector<8x512xf32>
      %swap3A_300 = arith.constant 0 : index
      %swap3A_301 = arith.constant 0 : index
      %swap3A_302 = vector.load %arg7[%swap3A_300, %swap3A_301] : memref<8x512xf32, #tpu.memory_space<vmem>>, vector<8x512xf32>
      tpu.vector_store %arg7[%swap3A_300, %swap3A_301], %concatenate3A_299 {strides = array<i32>} : memref<8x512xf32, #tpu.memory_space<vmem>>, vector<8x512xf32>,
      %iota3A_303 = tpu.iota {dimensions = array<i32: 1>} : vector<8x512xi32>
      %get3A_304 = arith.constant 0 : index
      %get3A_305 = arith.constant 0 : index
      %get3A_306 = vector.load %arg5[%get3A_304, %get3A_305] : memref<8x512xf32, #tpu.memory_space<vmem>>, vector<8x512xf32>
      %reduce_max3A = arith.constant dense<0xFF800000> : vector<8xf32>
      %reduce_max3A_307 = vector.multi_reduction <maximumf>, %get3A_306, %reduce_max3A [1] : vector<8x512xf32> to vector<8xf32>
      %broadcast_in_dim3A_308 = vector.shape_cast %reduce_max3A_307 : vector<8xf32> to vector<8x1xf32>
      %eq3A_309 = vector.broadcast %broadcast_in_dim3A_308 : vector<8x1xf32> to vector<8x512xf32>
      %eq3A_310 = arith.cmpf oeq, %get3A_306, %eq3A_309 : vector<8x512xf32>
      %jit3A_311 = arith.constant -1 : i32
      %broadcast_in_dim3A_312 = vector.broadcast %jit3A_311 : i32 to vector<8x512xi32>
      %select_n3A_313 = arith.select %eq3A_310, %iota3A_303, %broadcast_in_dim3A_312 : vector<8x512xi1>, vector<8x512xi32>
      %reduce_max3A_314 = arith.constant dense<-2147483648> : vector<8xi32>
      %reduce_max3A_315 = vector.multi_reduction <maxsi>, %select_n3A_313, %reduce_max3A_314 [1] : vector<8x512xi32> to vector<8xi32>
      %broadcast_in_dim3A_316 = vector.shape_cast %reduce_max3A_315 : vector<8xi32> to vector<8x1xi32>
      %eq3A_317 = vector.broadcast %broadcast_in_dim3A_316 : vector<8x1xi32> to vector<8x512xi32>
      %eq3A_318 = arith.cmpi eq, %iota3A_303, %eq3A_317 : vector<8x512xi32>
      %get3A_319 = arith.constant 0 : index
      %get3A_320 = arith.constant 0 : index
      %get3A_321 = vector.load %arg6[%get3A_319, %get3A_320] : memref<8x512xf32, #tpu.memory_space<vmem>>, vector<8x512xf32>
      %select_n3A_322 = arith.select %eq3A_318, %get3A_321, %get3A_306 : vector<8x512xi1>, vector<8x512xf32>
      %reduce_max3A_323 = arith.constant dense<0xFF800000> : vector<8xf32>
      %reduce_max3A_324 = vector.multi_reduction <maximumf>, %select_n3A_322, %reduce_max3A_323 [1] : vector<8x512xf32> to vector<8xf32>
      %broadcast_in_dim3A_325 = vector.shape_cast %reduce_max3A_324 : vector<8xf32> to vector<8x1xf32>
      %eq3A_326 = vector.broadcast %broadcast_in_dim3A_325 : vector<8x1xf32> to vector<8x512xf32>
      %eq3A_327 = arith.cmpf oeq, %select_n3A_322, %eq3A_326 : vector<8x512xf32>
      %jit3A_328 = arith.constant -1 : i32
      %broadcast_in_dim3A_329 = vector.broadcast %jit3A_328 : i32 to vector<8x512xi32>
      %select_n3A_330 = arith.select %eq3A_327, %iota3A_303, %broadcast_in_dim3A_329 : vector<8x512xi1>, vector<8x512xi32>
      %reduce_max3A_331 = arith.constant dense<-2147483648> : vector<8xi32>
      %reduce_max3A_332 = vector.multi_reduction <maxsi>, %select_n3A_330, %reduce_max3A_331 [1] : vector<8x512xi32> to vector<8xi32>
      %broadcast_in_dim3A_333 = vector.shape_cast %reduce_max3A_332 : vector<8xi32> to vector<8x1xi32>
      %eq3A_334 = vector.broadcast %broadcast_in_dim3A_333 : vector<8x1xi32> to vector<8x512xi32>
      %eq3A_335 = arith.cmpi eq, %iota3A_303, %eq3A_334 : vector<8x512xi32>
      %eq3A_336 = arith.cmpi eq, %broadcast_in_dim3A_316, %broadcast_in_dim3A_333 : vector<8x1xi32>
      %get3A_337 = arith.constant 0 : index
      %get3A_338 = arith.constant 0 : index
      %get3A_339 = vector.load %arg7[%get3A_337, %get3A_338] : memref<8x512xf32, #tpu.memory_space<vmem>>, vector<8x512xf32>
      %get3A_340 = arith.constant 0 : index
      %get3A_341 = arith.constant 0 : index
      %get3A_342 = vector.load %arg6[%get3A_340, %get3A_341] : memref<8x512xf32, #tpu.memory_space<vmem>>, vector<8x512xf32>
      %broadcast_in_dim3A_343 = vector.shape_cast %eq3A_336 : vector<8x1xi1> to vector<8x1xi1>
      %broadcast_in_dim3A_344 = vector.broadcast %broadcast_in_dim3A_343 : vector<8x1xi1> to vector<8x512xi1>
      %select_n3A_345 = arith.select %broadcast_in_dim3A_344, %get3A_339, %get3A_342 : vector<8x512xi1>, vector<8x512xf32>
      %select_n3A_346 = arith.select %eq3A_335, %select_n3A_345, %select_n3A_322 : vector<8x512xi1>, vector<8x512xf32>
      %reduce_max3A_347 = arith.constant dense<0xFF800000> : vector<8xf32>
      %reduce_max3A_348 = vector.multi_reduction <maximumf>, %select_n3A_346, %reduce_max3A_347 [1] : vector<8x512xf32> to vector<8xf32>
      %broadcast_in_dim3A_349 = vector.shape_cast %reduce_max3A_348 : vector<8xf32> to vector<8x1xf32>
      %get3A_350 = arith.constant 0 : index
      %get3A_351 = arith.constant 0 : index
      %get3A_352 = arith.constant 0 : index
      %get3A_353 = vector.load %arg2[%get3A_350, %get3A_351, %get3A_352] : memref<1x1x8xf32, #tpu.memory_space<vmem>>, vector<1x1x8xf32>
      %get3A_354 = vector.shape_cast %get3A_353 : vector<1x1x8xf32> to vector<8xf32>
      %broadcast_in_dim3A_355 = vector.shape_cast %get3A_354 : vector<8xf32> to vector<8x1xf32>
      %eq3A_356 = arith.cmpf oeq, %broadcast_in_dim3A_355, %broadcast_in_dim3A_308 : vector<8x1xf32>
      %select_n3A_357 = arith.select %eq3A_356, %broadcast_in_dim3A_325, %broadcast_in_dim3A_308 : vector<8x1xi1>, vector<8x1xf32>
      %sub3A = arith.subf %broadcast_in_dim3A_355, %select_n3A_357 : vector<8x1xf32>
      %sub3A_358 = arith.subf %broadcast_in_dim3A_308, %broadcast_in_dim3A_349 : vector<8x1xf32>
      %add3A_359 = arith.constant 9.99999996E-13 : f32
      %add3A_360 = vector.broadcast %add3A_359 : f32 to vector<8x1xf32>
      %add3A_361 = arith.addf %sub3A_358, %add3A_360 : vector<8x1xf32>
      %neg3A = arith.constant 0.000000e+00 : f32
      %neg3A_362 = vector.broadcast %neg3A : f32 to vector<8x1xf32>
      %neg3A_363 = arith.subf %neg3A_362, %sub3A : vector<8x1xf32>
      %div3A = arith.divf %neg3A_363, %add3A_361 : vector<8x1xf32>
      %squeeze3A = vector.shape_cast %div3A : vector<8x1xf32> to vector<8xf32>
      %swap3A_364 = arith.constant 0 : index
      %swap3A_365 = arith.constant 0 : index
      %swap3A_366 = arith.constant 0 : index
      %swap3A_367 = vector.load %arg4[%swap3A_364, %swap3A_365, %swap3A_366] : memref<1x1x8xf32, #tpu.memory_space<vmem>>, vector<1x1x8xf32>
      %swap3A_368 = vector.shape_cast %swap3A_367 : vector<1x1x8xf32> to vector<8xf32>
      %swap3A_369 = vector.shape_cast %squeeze3A : vector<8xf32> to vector<1x1x8xf32>
      tpu.vector_store %arg4[%swap3A_364, %swap3A_365, %swap3A_366], %swap3A_369 {strides = array<i32>} : memref<1x1x8xf32, #tpu.memory_space<vmem>>, vector<1x1x8xf32>,
    } else {
    }
    return
  }
  func.func @transform_0(%arg0: i32, %arg1: i32) -> (i32, i32, i32) {
    %c0_i32 = arith.constant 0 : i32
    %c0_i32_0 = arith.constant 0 : i32
    %c0_i32_1 = arith.constant 0 : i32
    return %arg0, %c0_i32, %c0_i32_0 : i32, i32, i32
  }
  func.func @transform_1(%arg0: i32, %arg1: i32) -> (i32, i32) {
    %c0_i32 = arith.constant 0 : i32
    return %arg0, %arg1 : i32, i32
  }
  func.func @transform_2(%arg0: i32, %arg1: i32) -> (i32, i32, i32) {
    %c0_i32 = arith.constant 0 : i32
    %c0_i32_0 = arith.constant 0 : i32
    %c0_i32_1 = arith.constant 0 : i32
    return %arg0, %c0_i32, %c0_i32_0 : i32, i32, i32
  }
}

</mosaic_0001>

<sc_bundles>
// kernel: kernel.4.cloned.1.call-start
scs
__scs_entry_jumppad:
0x0: {  	(pc) =	sbr.rel $0x88, $3  }
0x1: {  	(tag) =	ssettag $0x0;
	lr =	simm.s32 $0x1  }
0x2: {  	[smem:$0x3F9F] =	sst lr;
	_ =	strace $0xD0000000  }
0x3: {  	_ = 	snop  }
0x4: {  	_ = 	snop  }
0x5: {  	_ = 	snop  }
0x6: {  	_ = 	snop  }
0x7: {  	_ = 	snop  }
__scs_overlays_trampoline_lowered:
0x8: {  	[smem:$0x3FAE] =	sst s0  }
0x9: {  	[smem:$0x3FAF] =	sst s1  }
0xa: {  	[smem:$0x3FB0] =	sst s2  }
0xb: {  	[smem:$0x3FB1] =	sst s3  }
0xc: {  	[smem:$0x3FB2] =	sst s4  }
0xd: {  	[smem:$0x3FB3] =	sst s5  }
0xe: {  	[smem:$0x3FB4] =	sst s6  }
0xf: {  	[smem:$0x3FB5] =	sst s7  }
0x10: {  	[smem:$0x3FB6] =	sst s8  }
0x11: {  	[smem:$0x3FB7] =	sst s9;
	s0 =	simm.s32 @!p0 $0x0  }
0x12: {  	s1 =	sld [smem:$0x3F9D];
	s0 =	simm.s32 @p0 $0x1  }
0x13: {  	[smem:$0x3FB8] =	sst s0;
	s0 =	simm.s32 @!p1 $0x0  }
0x14: {  	s2 =	sld [smem:$0x3F9C];
	s0 =	simm.s32 @p1 $0x1  }
0x15: {  	[smem:$0x3FB9] =	sst s0;
	s0 =	simm.s32 @!p2 $0x0  }
0x16: {  	s3 =	sld [smem:$0x3FDB];
	s0 =	simm.s32 @p2 $0x1  }
0x17: {  	s4 =	simm.s32 $0x1BF5;
	[smem:$0x3FBB] =	sst s0  }
0x18: {  	s0 =	sld [smem:$0x3F9E];
	_ =	swait.ge [sflag:s4], $0x0  }
0x19: {  	s7 =	sld [smem:$0x3F9F]  }
0x1a: {  	s8 =	sadd.s32 $0xFFFFE003, lr  }
0x1b: {  	s9 =	sadd.s32 $0xFFFFFEF7, lr;
	s5 =	simm.s32 $0xFFFFFFFF;
	p2 =	slt.u32 s8, $0xFFFFF086  }
0x1c: {  	p1 =	slt.u32 s9, $0xF7A;
	s5 =	simm.s32 @!p2 $0x0  }
0x1d: {  	s5 =	simm.s32 @p1 $0x1;
	p0 =	seq.s32 s7, s2  }
0x1e: {  	s7 =	smul.u32 @!p0 $0xF7A, s2;
	p2 =	seq.s32 @!p0 s5, $0x0  }
0x1f: {  	s9 =	smul.u32 $0xF7A, s1;
	s8 =	simm.s32 @!p0 $0x1BF5;
	p2 =	por !p2, p0  }
0x20: {  	[sflag:s8] =	ssyncset.s32 @!p0 $0xFFFFF086;
	s6 =	sadd.s32 @!p0 s3, s7;
	s7 =	simm.s32 @!p0 $0x108  }
0x21: {  	s3 =	sadd.s32 s3, s9;
	s6 =	sadd.s32 @!p0 $0x88, s6;
	s7 =	simm.s32 @p2 $0x1082  }
0x22: {  	[simem:s7], [sflag:s8] =	dma.local @!p0 [hbm:s6], $0xF7A  }
0x23: {  	s9 =	sor.u32 $0xD0000000, s2;
	s6 =	simm.s32 $0x108;
	_ =	swait.ge @!p0 [sflag:s8], $0x0  }
0x24: {  	s3 =	sadd.s32 $0x88, s3;
	s6 =	simm.s32 @!p1 $0x1082;
	[sflag:s4] =	ssyncset.s32 $0xFFFFF086  }
0x25: {  	[simem:s6], [sflag:s4] =	dma.local [hbm:s3], $0xF7A  }
0x26: {  	[smem:$0x3F9F] =	sst s1;
	(tag) =	ssettag s2;
	_ =	strace s9  }
0x27: {  	s1 =	sld [smem:$0x3FAF]  }
0x28: {  	s2 =	sld [smem:$0x3FB0]  }
0x29: {  	s4 =	sld [smem:$0x3FB2]  }
0x2a: {  	p0 =	seq.s32 s5, $0x0;
	s5 =	sld [smem:$0x3FB3]  }
0x2b: {  	s6 =	sld [smem:$0x3FB4]  }
0x2c: {  	s7 =	sld [smem:$0x3FB5]  }
0x2d: {  	s3 =	simm.s32 $0x108;
	s8 =	sld [smem:$0x3FB6]  }
0x2e: {  	s3 =	simm.s32 @!p0 $0x1082;
	s9 =	sld [smem:$0x3FB7]  }
0x2f: {  	lr =	sadd.s32 s0, s3;
	s0 =	sld [smem:$0x3FAE]  }
0x30: {  	s3 =	sld [smem:$0x3FB1]  }
0x31: {  	[smem:$0x3FBA] =	sst s10  }
0x32: {  	s10 =	sld [smem:$0x3FB8];
	_ =	sdelay $0x3  }
0x33: {  	p0 =	seq.s32 s10, $0x1;
	s10 =	sld [smem:$0x3FBA];
	_ =	sdelay $0x3  }
0x34: {  	[smem:$0x3FBA] =	sst s10  }
0x35: {  	s10 =	sld [smem:$0x3FB9];
	_ =	sdelay $0x3  }
0x36: {  	p1 =	seq.s32 s10, $0x1;
	s10 =	sld [smem:$0x3FBA];
	_ =	sdelay $0x3  }
0x37: {  	[smem:$0x3FBA] =	sst s10  }
0x38: {  	s10 =	sld [smem:$0x3FBB]  }
0x39: {  	_ = 	snop;
	(pc) =	sbr.ind lr, $3  }
0x3a: {  	_ = 	snop  }
0x3b: {  	_ = 	snop  }
0x3c: {  	p2 =	seq.s32 s10, $0x1;
	s10 =	sld [smem:$0x3FBA]  }
0x3d: {  	_ =	shalt  }
0x3e: {  	_ =	shalt  }
0x3f: {  	_ =	shalt  }
0x40: {  	_ =	shalt  }
0x41: {  	_ =	shalt  }
0x42: {  	_ =	shalt  }
0x43: {  	_ =	shalt  }
0x44: {  	_ =	shalt  }
0x45: {  	_ =	shalt  }
0x46: {  	_ =	shalt  }
0x47: {  	_ =	shalt  }
0x48: {  	_ =	shalt  }
0x49: {  	_ =	shalt  }
0x4a: {  	_ =	shalt  }
0x4b: {  	_ =	shalt  }
0x4c: {  	_ =	shalt  }
0x4d: {  	_ =	shalt  }
0x4e: {  	_ =	shalt  }
0x4f: {  	_ =	shalt  }
0x50: {  	_ =	shalt  }
0x51: {  	_ =	shalt  }
0x52: {  	_ =	shalt  }
0x53: {  	_ =	shalt  }
0x54: {  	_ =	shalt  }
0x55: {  	_ =	shalt  }
0x56: {  	_ =	shalt  }
0x57: {  	_ =	shalt  }
0x58: {  	_ =	shalt  }
0x59: {  	_ =	shalt  }
0x5a: {  	_ =	shalt  }
0x5b: {  	_ =	shalt  }
0x5c: {  	_ =	shalt  }
0x5d: {  	_ =	shalt  }
0x5e: {  	_ =	shalt  }
0x5f: {  	_ =	shalt  }
0x60: {  	_ =	shalt  }
0x61: {  	_ =	shalt  }
0x62: {  	_ =	shalt  }
0x63: {  	_ =	shalt  }
0x64: {  	_ =	shalt  }
0x65: {  	_ =	shalt  }
0x66: {  	_ =	shalt  }
0x67: {  	_ =	shalt  }
0x68: {  	_ =	shalt  }
0x69: {  	_ =	shalt  }
0x6a: {  	_ =	shalt  }
0x6b: {  	_ =	shalt  }
0x6c: {  	_ =	shalt  }
0x6d: {  	_ =	shalt  }
0x6e: {  	_ =	shalt  }
0x6f: {  	_ =	shalt  }
0x70: {  	_ =	shalt  }
0x71: {  	_ =	shalt  }
0x72: {  	_ =	shalt  }
0x73: {  	_ =	shalt  }
0x74: {  	_ =	shalt  }
0x75: {  	_ =	shalt  }
0x76: {  	_ =	shalt  }
0x77: {  	_ =	shalt  }
0x78: {  	_ =	shalt  }
0x79: {  	_ =	shalt  }
0x7a: {  	_ =	shalt  }
0x7b: {  	_ =	shalt  }
0x7c: {  	_ =	shalt  }
0x7d: {  	_ =	shalt  }
0x7e: {  	_ =	shalt  }
0x7f: {  	_ =	shalt  }
0x80: {  	_ =	shalt  }
0x81: {  	_ =	shalt  }
0x82: {  	_ =	shalt  }
0x83: {  	_ =	shalt  }
0x84: {  	_ =	shalt  }
0x85: {  	_ =	shalt  }
0x86: {  	_ =	shalt  }
0x87: {  	_ =	shalt  }
.Lfunc_end0:
.L_simem_size_0:
called_computation_lowered:
.L_overlay_start_0:
0x88: {  	s2 =	sld [smem:$0x3FD9]  }
0x89: {  	s3 =	sld [smem:$0x3FFE];
	_ =	sdelay $0x1  }
0x8a: {  	s1 =	srdreg.scid  }
0x8b: {  	s0 =	sand.u32 $0x1, s1  }
0x8c: {  	s17 =	sshll.u32 s0, $0xA;
	s2 =	sadd.s32 s3, s2  }
0x8d: {  	s2 =	sadd.s32 s2, s17  }
0x8e: {  	[smem:$0x3FC6] =	sst s2  }
0x8f: {  	_ = 	snop  }
0x90: {  	s2 =	sld [smem:$0x3FC8]  }
0x91: {  	s18 =	sld [smem:$0x3FD0];
	(tm) =	ssettm $0x1  }
0x92: {  	s4 =	sld [smem:$0x3FFB];
	_ =	sdelay $0x3  }
0x93: {  	_ =	strace s4  }
0x94: {  	s4 =	sld [smem:$0x3FFC];
	_ =	sdelay $0x3  }
0x95: {  	_ =	strace s4  }
0x96: {  	s4 =	sld [smem:$0x3FFD];
	_ =	sdelay $0x3  }
0x97: {  	_ =	strace s4  }
0x98: {  	_ =	strace $0x8FFFFFFF  }
0x99: {  	s19 =	sld [smem:$0x3FDB];
	_ =	sdelay $0x1  }
0x9a: {  	s5 =	simm.s32 $_scs_section_size  }
0x9b: {  	s6 =	simm.s32 $_size__tile_overlayer_lowered;
	s7 =	simm.s32 $_tile_overlayer_lowered  }
0x9c: {  	s22 =	simm.s32 $0x1BFF;
	s21 =	sshll.u32 s7, $0x1;
	s4 =	sadd.s32 s5, s19  }
0x9d: {  	s8 =	simm.s32 $0x0;
	s20 =	sshll.u32 s6, $0x1;
	s6 =	sadd.s32 s21, s4  }
0x9e: {  	[timem:s8], [sflag:s22] =	dma.local [hbm:s6], s20  }
0x9f: {  	_ =	swait.ge [sflag:s22], s20  }
0xa0: {  	s5 =	ssub.s32 $0x0, s20;
	[sflag:s22] =	ssyncset.done $0x0  }
0xa1: {  	[sflag:s22] =	ssyncadd.s32 s5;
	_ =	sdelay $0x1  }
0xa2: {  	s23 =	simm.s32 $0x1B8B  }
0xa3: {  	_ =	swait.ge [sflag:s23], $0x1  }
0xa4: {  	[sflag:s23] =	ssyncset.done $0x0  }
0xa5: {  	s25 =	simm.s32 $0x1B8E;
	s24 =	sld [smem:$0x3FFE];
	[sflag:s23] =	ssyncadd.s32 $0xFFFFFFFF  }
0xa6: {  	s26 =	simm.s32 $execute0_lowered;
	[smem:$0x3FD2] =	sst s25  }
0xa7: {  	s6 =	sshll.u32 s26, $0x1;
	_ =	strace $0x80000046;
	[dreg:$0x1] =	wrdreg $0xFFFFFFFF  }
0xa8: {  	s28 =	simm.s32 $_size_execute0_lowered;
	s4 =	sadd.s32 s4, s6;
	[dreg:$0x0] =	wrdreg $0x0  }
0xa9: {  	s6 =	sshll.u32 s28, $0x1;
	[dreg:$0x2] =	wrdreg s4  }
0xaa: {  	[dreg:$0x3] =	wrdreg s6  }
0xab: {  	[dreg:$0x4] =	wrdreg $0xC0  }
0xac: {  	_ =	task [dreg:s8], $0x5FFFF  }
0xad: {  	[dreg:$0x1] =	wrdreg $0xFFFFFFFF  }
0xae: {  	[dreg:$0x0] =	wrdreg $0x60  }
0xaf: {  	[dreg:$0x2] =	wrdreg s24  }
0xb0: {  	[dreg:$0x3] =	wrdreg s2  }
0xb1: {  	[dreg:$0x4] =	wrdreg s18  }
0xb2: {  	[dreg:$0x5] =	wrdreg $0x9  }
0xb3: {  	_ =	task.clear_ibuf [dreg:s8], $0x6FFFF;
	_ =	strace $0x90000046  }
0xb4: {  	s29 =	simm.s32 $0x9;
	_ =	strace $0x80000048  }
0xb5: {  	_ =	swait.ge [sflag:s29], $0x1  }
0xb6: {  	[sflag:s29] =	ssyncadd.s32 $0xFFFFFFFF  }
0xb7: {  	_ =	strace $0x90000048  }
0xb8: {  	_ =	sfence  }
0xb9: {  	s30 =	sld [smem:$0x0];
	_ =	sdelay $0x2  }
0xba: {  	s31 =	sshll.u32 s1, $0xD;
	s1 =	sshrl.u32 s1, $0x2  }
0xbb: {  	s3 =	sand.u32 $0x4000, s31;
	s1 =	sadd.s32 s1, s30  }
0xbc: {  	s0 =	sor.u32 s3, s0;
	s1 =	sshll.u32 s1, $0x11  }
0xbd: {  	s0 =	sor.u32 s1, s0  }
0xbe: {  	s0 =	sadd.s32 $0x8F2B, s0  }
0xbf: {  	[sflag:s0] =	ssyncadd.remote.s32 $0x1  }
0xc0: {  	_ =	sfence.sel $0xFFFF  }
0xc1: {  	[dreg:$0x0] =	wrdreg $0xFFFFFFFF;
	(pc) =	sbr.abs _section_cstart, $3  }
0xc2: {  	[dreg:$0x1] =	wrdreg $0xFFFFFFFF  }
0xc3: {  	_ =	task.clear_ibuf [dreg:s8], $0x2FFFF;
	_ =	strace $0x9FFFFFFF  }
0xc4: {  	(tm) =	ssettm $0x7FFFFFFF  }
0xc5: {  	_ =	shalt  }
tec
execute0_lowered:
.L_overlay_start_1:
0x0: {  	(tag) =	ssettag $0x1  }
0x1: {  	s5 =	rddreg [dreg:$0x0];
	s1 =	srdreg.scid  }
0x2: {  	s3 =	rddreg [dreg:$0x1];
	s0 =	stileid.u32;
	s6 =	sand.u32 $0x1, s1  }
0x3: {  	s10 =	rddreg [dreg:$0x2];
	s4 =	sshll.u32 s0, $0x6;
	s7 =	sshll.u32 s6, $0x5  }
0x4: {  	s2 =	simm.s32 $0x0;
	s1 =	rddreg [dreg:$0x3];
	s7 =	sor.u32 s7, s4  }
0x5: {  	[smem:$0x7FF] =	sst s2;
	s11 =	sshrl.u32 s7, $0x3  }
0x6: {  	_ =	strace $0x80000047;
	s4 =	sadd.s32 s3, s11;
	s3 =	simm.s32 $0x2  }
0x7: {  	[tilespmem:s2], [sflag:$0x2] =	stream.linear.gather [hbm4b:s4+s2], $0x20, $0x38;
	[tilespmem:$0x180] =	vst v63  }
0x8: {  	_ =	swait.ge [sflag:s3], $0x20  }
0x9: {  	[sflag:s3] =	ssyncset.done $0x0  }
0xa: {  	v0 =	vmov s7;
	s7 =	sor.u32 $0x10, s7;
	[sflag:s3] =	ssyncadd.s32 $0xFFFFFFE0  }
0xb: {  	v0 =	vmul.u32 $0x186A0, v0;
	v1 =	vmov s7;
	v2 =	vld [tilespmem:$0x0]  }
0xc: {  	v3 =	vlaneseq.u32;
	v1 =	vmul.u32 $0x186A0, v1;
	v4 =	vld [tilespmem:$0x10]  }
0xd: {  	v3 =	vmul.u32 $0x186A0, v3;
	v0 =	vbroadcast v0, $0x0  }
0xe: {  	s12 =	ssub.s32 $0x2, s6;
	v1 =	vbroadcast v1, $0x0  }
0xf: {  	s13 =	sshrl.u32 s12, $0x1;
	v0 =	vadd.s32 v3, v0  }
0x10: {  	s8 =	simm.s32 $0x100;
	s12 =	ssub.s32 s12, s13;
	v1 =	vadd.s32 v3, v1;
	v2 =	vadd.s32 v2, v0  }
0x11: {  	s9 =	simm.s32 $0x1;
	s5 =	sadd.s32 $0xC38000, s5;
	s31 =	smax.u32 s12, $0x1;
	[tilespmem:$0x80] =	vst v2;
	v2 =	vadd.s32 v4, v1  }
0x12: {  	s6 =	simm.s32 $0x20;
	s7 =	simm.s32 $0x80;
	p0 =	sne.s32 s31, $0x1;
	[tilespmem:$0x90] =	vst v2  }
0x13: {  	[tilespmem:s8], [sflag:$0x1] =	stream.indirect.gather [hbm4b:s5+s6], $0x1, s7, s6, $0xb8;
	[tilespmem:$0x180] =	vst v63  }
.Ltmp0:
0x14: {  	_ =	swait.ge [sflag:s9], $0x20;
	(pc) =	sbr.rel @!p0 .LBB2_2-.Ltmp0, $4  }
0x15: {  	[sflag:s9] =	ssyncset.done $0x0  }
0x16: {  	s10 =	sadd.s32 s10, s11;
	[sflag:s9] =	ssyncadd.s32 $0xFFFFFFE0  }
0x17: {  	[hbm4b:s10+s2] =	stream.linear.scatter [tilespmem:s8], [sflag:$0x2], $0x20, $0x38;
	[tilespmem:$0x180] =	vst v63  }
0x18: {  	s11 =	sadd.s32 $0xFFFFFFFF, s31;
	_ =	swait.ge [sflag:s3], $0x20  }
.LBB2_1:
0x19: {  	p0 =	sne.s32 s11, $0x1;
	s11 =	sadd.s32 $0xFFFFFFFF, s11;
	[sflag:s3] =	ssyncset.done $0x0  }
0x1a: {  	[sflag:s3] =	ssyncadd.s32 $0xFFFFFFE0  }
0x1b: {  	[tilespmem:s2], [sflag:$0x2] =	stream.linear.gather [hbm4b:s4+s2], $0x20, $0x38;
	[tilespmem:$0x180] =	vst v63  }
0x1c: {  	_ =	swait.ge [sflag:s3], $0x20  }
0x1d: {  	[sflag:s3] =	ssyncset.done $0x0  }
0x1e: {  	[sflag:s3] =	ssyncadd.s32 $0xFFFFFFE0  }
0x1f: {  	v2 =	vld [tilespmem:$0x0]  }
0x20: {  	v3 =	vld [tilespmem:$0x10];
	_ =	sdelay $0x3  }
0x21: {  	v2 =	vadd.s32 v2, v0  }
0x22: {  	[tilespmem:$0x80] =	vst v2;
	v2 =	vadd.s32 v3, v1  }
0x23: {  	[tilespmem:$0x90] =	vst v2  }
0x24: {  	[tilespmem:s8], [sflag:$0x1] =	stream.indirect.gather [hbm4b:s5+s6], $0x1, s7, s6, $0xb8;
	[tilespmem:$0x180] =	vst v63  }
.Ltmp1:
0x25: {  	_ =	swait.ge [sflag:s9], $0x20;
	(pc) =	sbr.rel @p0 .LBB2_1-.Ltmp1, $4  }
0x26: {  	[sflag:s9] =	ssyncset.done $0x0  }
0x27: {  	[sflag:s9] =	ssyncadd.s32 $0xFFFFFFE0  }
0x28: {  	[hbm4b:s10+s2] =	stream.linear.scatter [tilespmem:s8], [sflag:$0x2], $0x20, $0x38;
	[tilespmem:$0x180] =	vst v63  }
0x29: {  	_ =	swait.ge [sflag:s3], $0x20  }
.LBB2_2:
0x2a: {  	[sflag:s3] =	ssyncset.done $0x0  }
0x2b: {  	[sflag:s3] =	ssyncadd.s32 $0xFFFFFFE0  }
0x2c: {  	_ =	sfence.sel $0x180000  }
0x2d: {  	[bflag:$0x0] =	sbarrier.arrive $0xFFFF  }
0x2e: {  	p0 =	sne.s32 s0, $0x0;
	_ =	strace $0x90000047  }
0x2f: {  	s0 =	sadd.s32 @!p0 $0x100000, s1;
	[bflag:$0x2] =	sbarrier.arrive $0xFFFF  }
0x30: {  	[sflag:s0] =	ssyncadd.tile.s32 @!p0 $0x1;
	_ =	shalt  }
.Lfunc_end2:
_tile_overlayer_lowered:
.L_overlay_start_2:
0x31: {  	(tag) =	ssettag $0x2  }
0x32: {  	s0 =	rddreg [dreg:$0x0];
	s2 =	stileid.u32  }
0x33: {  	s1 =	rddreg [dreg:$0x1];
	p0 =	sne.s32 s2, $0x0  }
0x34: {  	s3 =	rddreg [dreg:$0x2];
	[bflag:$0x3] =	sbarrier.arrive $0xFFFF;
	s2 =	simm.s32 @!p0 $0x1C02  }
0x35: {  	[timem:s3], [sflag:s2] =	dma.local @!p0 [hbm:s0], s1  }
0x36: {  	s0 =	simm.s32 @!p0 $0x2  }
0x37: {  	_ =	swait.ge @!p0 [sflag:s0], s1  }
0x38: {  	s1 =	ssub.s32 @!p0 $0x0, s1;
	[sflag:s0] =	ssyncset.done @!p0 $0x0  }
0x39: {  	[sflag:s0] =	ssyncadd.s32 @!p0 s1  }
0x3a: {  	[bflag:$0x3] =	sbarrier.arrive $0xFFFF  }
0x3b: {  	_ =	shalt  }

</sc_bundles>
